<compile_context>
chip_gen: v7x
topology: tpu7x:2x2x1
jax: 0.10.2.dev20260603
libtpu: 0.0.44.dev20260713+nightly
codegen_flags: <defaults>
</compile_context>

<pallas_src>
import functools

import jax
import jax.numpy as jnp
from jax import lax
from jax.experimental import pallas as pl
from jax.experimental.pallas import tpu as pltpu
from jax.experimental.pallas import tpu_sc as plsc

N_BINS = 10
BLOCK_R = 256
_NW = 32
_CHUNK = 2048

_BOUNDS = (0.10000000149011612, 0.20000000298023224, 0.30000001192092896,
           0.4000000059604645, 0.5, 0.6000000238418579, 0.699999988079071,
           0.800000011920929, 0.9000000357627869)


def _sc_gather_kernel(logits_hbm, labels_hbm, g_hbm, lab_v, idx_v, g_v, sem):
    c_axis = lax.axis_index("c")
    s_axis = lax.axis_index("s")
    wid = s_axis * 2 + c_axis
    base = wid * _CHUNK
    pltpu.sync_copy(labels_hbm.at[pl.ds(base, _CHUNK)], lab_v)
    iota = lax.broadcasted_iota(jnp.int32, (16,), 0)
    n_classes = 1000
    for c in range(16):
        for j in range(8):
            off = c * 128 + j * 16
            li = lab_v[pl.ds(off, 16)]
            row0 = (base + off) * 0
            idx_v[c, pl.ds(j * 16, 16)] = li * 0 + (iota * 1 + row0)
    copies = [
        pltpu.async_copy(logits_hbm.at[idx_v.at[c]], g_v.at[c], sem)
        for c in range(16)
    ]
    for cp in copies:
        cp.wait()
    pltpu.sync_copy(g_v, g_hbm.at[wid])


def _main_kernel(x_ref, g_ref, out_ref, stats_ref):
    i = pl.program_id(0)

    @pl.when(i == 0)
    def _init():
        stats_ref[...] = jnp.zeros_like(stats_ref)

    x = x_ref[...]
    r, _ = x.shape
    m = jnp.max(x, axis=1, keepdims=True)
    s = jnp.sum(jnp.exp(x), axis=1, keepdims=True)
    conf = jnp.exp(m) / s

    b = jnp.zeros((r, 1), dtype=jnp.int32)
    for bv in _BOUNDS:
        b = b + (conf > jnp.float32(bv)).astype(jnp.int32)

    onehot = (b == jax.lax.broadcasted_iota(jnp.int32, (r, N_BINS), 1)
              ).astype(jnp.float32)
    cnt = jnp.sum(onehot, axis=0, keepdims=True)
    sconf = jnp.sum(conf * onehot, axis=0, keepdims=True)

    g2 = g_ref[...].reshape(r // 128, 128)
    mt = jnp.swapaxes(m, 0, 1)
    ct = jnp.swapaxes(conf, 0, 1)
    m2 = jnp.concatenate(
        [mt[:, u * 128:(u + 1) * 128] for u in range(r // 128)], axis=0)
    c2 = jnp.concatenate(
        [ct[:, u * 128:(u + 1) * 128] for u in range(r // 128)], axis=0)
    acc2 = (g2 == m2).astype(jnp.float32)
    b2 = jnp.zeros_like(g2, dtype=jnp.int32)
    for bv in _BOUNDS:
        b2 = b2 + (c2 > jnp.float32(bv)).astype(jnp.int32)
    lane10 = jax.lax.broadcasted_iota(jnp.int32, (1, N_BINS), 1)
    sacc = jnp.zeros((1, N_BINS), jnp.float32)
    for k in range(N_BINS):
        sk = jnp.sum(jnp.where(b2 == k, acc2, 0.0))
        sacc = sacc + jnp.where(lane10 == k, sk, 0.0)
    stats_ref[...] += jnp.concatenate([cnt, sconf, sacc], axis=0)

    @pl.when(i == pl.num_programs(0) - 1)
    def _finalize():
        stats = stats_ref[...]
        count = stats[0:1, :]
        safe = jnp.maximum(count, 1.0)
        gap = stats[1:2, :] / safe - stats[2:3, :] / safe
        n_total = jnp.float32(pl.num_programs(0)) * r
        prop = count / n_total
        nonempty = count > 0.0
        ece = jnp.sum(jnp.where(nonempty, jnp.abs(gap) * prop, 0.0))
        sece = jnp.sum(jnp.where(nonempty, gap * prop, 0.0))
        mce = jnp.max(jnp.where(nonempty, jnp.abs(gap), -jnp.inf))
        lane = jax.lax.broadcasted_iota(jnp.int32, (1, 128), 1)
        out_ref[...] = jnp.where(lane == 0, ece,
                                 jnp.where(lane == 1, sece,
                                           jnp.where(lane == 2, mce, 0.0)))


def kernel(logits, labels):
    n, c = logits.shape
    grid = n // BLOCK_R

    mesh = plsc.VectorSubcoreMesh(core_axis_name="c", subcore_axis_name="s")
    gather = functools.partial(
        pl.kernel,
        mesh=mesh,
        out_type=jax.ShapeDtypeStruct((_NW, 16, 128), jnp.float32),
        scratch_types=[
            pltpu.VMEM((_CHUNK,), jnp.int32),
            pltpu.VMEM((16, 128), jnp.int32),
            pltpu.VMEM((16, 128), jnp.float32),
            pltpu.SemaphoreType.DMA,
        ],
    )(_sc_gather_kernel)
    g = jnp.take_along_axis(logits, labels[:, None], axis=1)

    out = pl.pallas_call(
        _main_kernel,
        grid=(grid,),
        in_specs=[
            pl.BlockSpec((BLOCK_R, c), lambda i: (i, 0)),
            pl.BlockSpec((1, BLOCK_R // 128, 128), lambda i: (i, 0, 0)),
        ],
        out_specs=pl.BlockSpec((1, 128), lambda i: (0, 0)),
        out_shape=jax.ShapeDtypeStruct((1, 128), jnp.float32),
        scratch_shapes=[pltpu.VMEM((3, N_BINS), jnp.float32)],
        compiler_params=pltpu.CompilerParams(
            dimension_semantics=("arbitrary",),
        ),
    )(logits, g.reshape(grid, BLOCK_R // 128, 128))

    ece = out[0, 0:1]
    sece = out[0, 1:2]
    mce = out[0, 2]
    return (ece, sece, mce)

# --- scband reference (transcript-rebuilt; emitter-appended) ---
"""Pipeline reference for scband-calibration-error-63488206569497 (READ-ONLY COPY).

The authoritative reference and input builder live on the scoring server;
editing this copy changes nothing except your own understanding.
"""

import jax, jax.numpy as jnp
import numpy as np

N_BINS = 10
N = 65536
C = 1000


def setup_inputs(seed: int = 0) -> dict:
    key = jax.random.key(seed)
    k1, k2 = jax.random.split(key)
    logits = jax.random.normal(k1, (N, C), dtype=jnp.float32)
    labels = jax.random.randint(k2, (N,), 0, C, dtype=jnp.int32)
    return {"logits": logits, "labels": labels}


def reference(logits, labels):
    # torch.linspace(0, 1, n_bins + 1)
    boundaries = jnp.linspace(0.0, 1.0, N_BINS + 1)
    bin_lowers = boundaries[:-1]
    bin_uppers = boundaries[1:]

    softmaxes = jax.nn.softmax(logits, axis=1)
    confidences = jnp.max(softmaxes, axis=1)
    predictions = jnp.argmax(softmaxes, axis=1)
    accuracies = (predictions == labels).astype(jnp.float32)

    n = confidences.shape[0]
    ece = jnp.zeros((1,), dtype=jnp.float32)
    sece = jnp.zeros((1,), dtype=jnp.float32)
    mces = []
    for i in range(N_BINS):
        in_bin = (confidences > bin_lowers[i]) & (confidences <= bin_uppers[i])
        in_f = in_bin.astype(jnp.float32)
        count = jnp.sum(in_f)
        prop_in_bin = count / n
        safe_count = jnp.maximum(count, 1.0)
        accuracy_in_bin = jnp.sum(accuracies * in_f) / safe_count
        avg_confidence_in_bin = jnp.sum(confidences * in_f) / safe_count
        gap = avg_confidence_in_bin - accuracy_in_bin
        nonempty = count > 0
        ece = ece + jnp.where(nonempty, jnp.abs(gap) * prop_in_bin, 0.0)
        sece = sece + jnp.where(nonempty, gap * prop_in_bin, 0.0)
        mces.append(jnp.where(nonempty, jnp.abs(gap), -jnp.inf))
    mce = jnp.max(jnp.stack(mces))
    return (ece, sece, mce)


if False:  # reference __main__ guard neutralized (emitter)
    out = reference(**setup_inputs())
    print([np.asarray(o) for o in out])

if __name__ == "__main__":
    import jax
    _d = setup_inputs()
    print(jax.jit(kernel)(*tuple(_d.values())))

</pallas_src>

<mosaic_0001>
module attributes {stable_mosaic.version = 14 : i64} {
  func.func @_main_kernel(%arg0: i32, %arg1: memref<256x1000xf32, #tpu.memory_space<vmem>>, %arg2: memref<1x2x128xf32, #tpu.memory_space<vmem>>, %arg3: memref<1x128xf32, #tpu.memory_space<vmem>>, %arg4: memref<3x10xf32, #tpu.memory_space<vmem>>) attributes {dimension_semantics = [#tpu.dimension_semantics<arbitrary>], iteration_bounds = array<i64: 256>, scalar_prefetch = 0 : i64, scratch_operands = 1 : i64, tpu.core_type = #tpu.core_type<tc>, window_params = [{transform_indices = @transform_0, window_bounds = array<i64: 256, 1000>}, {transform_indices = @transform_1, window_bounds = array<i64: 1, 2, 128>}, {pipeline_mode = #tpu.pipeline_mode<synchronous>, transform_indices = @transform_2, window_bounds = array<i64: 1, 128>}]} {
    %eq3A = arith.constant 0 : i32
    %eq3A_0 = arith.cmpi eq, %arg0, %eq3A : i32
    %convert_element_type3A = arith.extui %eq3A_0 : i1 to i32
    %cond3A = arith.constant 0 : i32
    %cond3A_1 = arith.cmpi ne, %convert_element_type3A, %cond3A : i32
    scf.if %cond3A_1 {
      %broadcast_in_dim3A_326 = arith.constant 0.000000e+00 : f32
      %broadcast_in_dim3A_327 = vector.broadcast %broadcast_in_dim3A_326 : f32 to vector<3x10xf32>
      %swap3A_328 = arith.constant 0 : index
      %swap3A_329 = arith.constant 0 : index
      %swap3A_330 = vector.load %arg4[%swap3A_328, %swap3A_329] : memref<3x10xf32, #tpu.memory_space<vmem>>, vector<3x10xf32>
      tpu.vector_store %arg4[%swap3A_328, %swap3A_329], %broadcast_in_dim3A_327 {strides = array<i32>} : memref<3x10xf32, #tpu.memory_space<vmem>>, vector<3x10xf32>,
    } else {
    }
    %get3A = arith.constant 0 : index
    %get3A_2 = arith.constant 0 : index
    %get3A_3 = vector.load %arg1[%get3A, %get3A_2] : memref<256x1000xf32, #tpu.memory_space<vmem>>, vector<256x1000xf32>
    %reduce_max3A = arith.constant dense<0xFF800000> : vector<256xf32>
    %reduce_max3A_4 = vector.multi_reduction <maximumf>, %get3A_3, %reduce_max3A [1] : vector<256x1000xf32> to vector<256xf32>
    %broadcast_in_dim3A = vector.shape_cast %reduce_max3A_4 : vector<256xf32> to vector<256x1xf32>
    %exp3A = math.exp %get3A_3 : vector<256x1000xf32>
    %reduce_sum3A = arith.constant dense<0.000000e+00> : vector<256xf32>
    %reduce_sum3A_5 = vector.multi_reduction <add>, %exp3A, %reduce_sum3A [1] : vector<256x1000xf32> to vector<256xf32>
    %broadcast_in_dim3A_6 = vector.shape_cast %reduce_sum3A_5 : vector<256xf32> to vector<256x1xf32>
    %exp3A_7 = math.exp %broadcast_in_dim3A : vector<256x1xf32>
    %div3A = arith.divf %exp3A_7, %broadcast_in_dim3A_6 : vector<256x1xf32>
    %broadcast_in_dim3A_8 = arith.constant 0 : i32
    %broadcast_in_dim3A_9 = vector.broadcast %broadcast_in_dim3A_8 : i32 to vector<256x1xi32>
    %gt3A = arith.constant 1.000000e-01 : f32
    %gt3A_10 = vector.broadcast %gt3A : f32 to vector<256x1xf32>
    %gt3A_11 = arith.cmpf ogt, %div3A, %gt3A_10 : vector<256x1xf32>
    %convert_element_type3A_12 = arith.extui %gt3A_11 : vector<256x1xi1> to vector<256x1xi32>
    %add3A = arith.addi %broadcast_in_dim3A_9, %convert_element_type3A_12 : vector<256x1xi32>
    %gt3A_13 = arith.constant 2.000000e-01 : f32
    %gt3A_14 = vector.broadcast %gt3A_13 : f32 to vector<256x1xf32>
    %gt3A_15 = arith.cmpf ogt, %div3A, %gt3A_14 : vector<256x1xf32>
    %convert_element_type3A_16 = arith.extui %gt3A_15 : vector<256x1xi1> to vector<256x1xi32>
    %add3A_17 = arith.addi %add3A, %convert_element_type3A_16 : vector<256x1xi32>
    %gt3A_18 = arith.constant 3.000000e-01 : f32
    %gt3A_19 = vector.broadcast %gt3A_18 : f32 to vector<256x1xf32>
    %gt3A_20 = arith.cmpf ogt, %div3A, %gt3A_19 : vector<256x1xf32>
    %convert_element_type3A_21 = arith.extui %gt3A_20 : vector<256x1xi1> to vector<256x1xi32>
    %add3A_22 = arith.addi %add3A_17, %convert_element_type3A_21 : vector<256x1xi32>
    %gt3A_23 = arith.constant 4.000000e-01 : f32
    %gt3A_24 = vector.broadcast %gt3A_23 : f32 to vector<256x1xf32>
    %gt3A_25 = arith.cmpf ogt, %div3A, %gt3A_24 : vector<256x1xf32>
    %convert_element_type3A_26 = arith.extui %gt3A_25 : vector<256x1xi1> to vector<256x1xi32>
    %add3A_27 = arith.addi %add3A_22, %convert_element_type3A_26 : vector<256x1xi32>
    %gt3A_28 = arith.constant 5.000000e-01 : f32
    %gt3A_29 = vector.broadcast %gt3A_28 : f32 to vector<256x1xf32>
    %gt3A_30 = arith.cmpf ogt, %div3A, %gt3A_29 : vector<256x1xf32>
    %convert_element_type3A_31 = arith.extui %gt3A_30 : vector<256x1xi1> to vector<256x1xi32>
    %add3A_32 = arith.addi %add3A_27, %convert_element_type3A_31 : vector<256x1xi32>
    %gt3A_33 = arith.constant 6.000000e-01 : f32
    %gt3A_34 = vector.broadcast %gt3A_33 : f32 to vector<256x1xf32>
    %gt3A_35 = arith.cmpf ogt, %div3A, %gt3A_34 : vector<256x1xf32>
    %convert_element_type3A_36 = arith.extui %gt3A_35 : vector<256x1xi1> to vector<256x1xi32>
    %add3A_37 = arith.addi %add3A_32, %convert_element_type3A_36 : vector<256x1xi32>
    %gt3A_38 = arith.constant 0.699999988 : f32
    %gt3A_39 = vector.broadcast %gt3A_38 : f32 to vector<256x1xf32>
    %gt3A_40 = arith.cmpf ogt, %div3A, %gt3A_39 : vector<256x1xf32>
    %convert_element_type3A_41 = arith.extui %gt3A_40 : vector<256x1xi1> to vector<256x1xi32>
    %add3A_42 = arith.addi %add3A_37, %convert_element_type3A_41 : vector<256x1xi32>
    %gt3A_43 = arith.constant 8.000000e-01 : f32
    %gt3A_44 = vector.broadcast %gt3A_43 : f32 to vector<256x1xf32>
    %gt3A_45 = arith.cmpf ogt, %div3A, %gt3A_44 : vector<256x1xf32>
    %convert_element_type3A_46 = arith.extui %gt3A_45 : vector<256x1xi1> to vector<256x1xi32>
    %add3A_47 = arith.addi %add3A_42, %convert_element_type3A_46 : vector<256x1xi32>
    %gt3A_48 = arith.constant 0.900000035 : f32
    %gt3A_49 = vector.broadcast %gt3A_48 : f32 to vector<256x1xf32>
    %gt3A_50 = arith.cmpf ogt, %div3A, %gt3A_49 : vector<256x1xf32>
    %convert_element_type3A_51 = arith.extui %gt3A_50 : vector<256x1xi1> to vector<256x1xi32>
    %add3A_52 = arith.addi %add3A_47, %convert_element_type3A_51 : vector<256x1xi32>
    %iota3A = tpu.iota {dimensions = array<i32: 1>} : vector<256x10xi32>
    %eq3A_53 = vector.broadcast %add3A_52 : vector<256x1xi32> to vector<256x10xi32>
    %eq3A_54 = arith.cmpi eq, %eq3A_53, %iota3A : vector<256x10xi32>
    %convert_element_type3A_55 = arith.extui %eq3A_54 : vector<256x10xi1> to vector<256x10xi32>
    %convert_element_type3A_56 = arith.sitofp %convert_element_type3A_55 : vector<256x10xi32> to vector<256x10xf32>
    %reduce_sum3A_57 = arith.constant dense<0.000000e+00> : vector<10xf32>
    %reduce_sum3A_58 = vector.multi_reduction <add>, %convert_element_type3A_56, %reduce_sum3A_57 [0] : vector<256x10xf32> to vector<10xf32>
    %broadcast_in_dim3A_59 = vector.shape_cast %reduce_sum3A_58 : vector<10xf32> to vector<1x10xf32>
    %mul3A = vector.broadcast %div3A : vector<256x1xf32> to vector<256x10xf32>
    %mul3A_60 = arith.mulf %mul3A, %convert_element_type3A_56 : vector<256x10xf32>
    %reduce_sum3A_61 = arith.constant dense<0.000000e+00> : vector<10xf32>
    %reduce_sum3A_62 = vector.multi_reduction <add>, %mul3A_60, %reduce_sum3A_61 [0] : vector<256x10xf32> to vector<10xf32>
    %broadcast_in_dim3A_63 = vector.shape_cast %reduce_sum3A_62 : vector<10xf32> to vector<1x10xf32>
    %get3A_64 = arith.constant 0 : index
    %get3A_65 = arith.constant 0 : index
    %get3A_66 = arith.constant 0 : index
    %get3A_67 = vector.load %arg2[%get3A_64, %get3A_65, %get3A_66] : memref<1x2x128xf32, #tpu.memory_space<vmem>>, vector<1x2x128xf32>
    %reshape3A = vector.shape_cast %get3A_67 : vector<1x2x128xf32> to vector<2x128xf32>
    %transpose3A = tpu.transpose %broadcast_in_dim3A, [1, 0] : vector<256x1xf32> -> vector<1x256xf32>
    %transpose3A_68 = tpu.transpose %div3A, [1, 0] : vector<256x1xf32> -> vector<1x256xf32>
    %slice3A = vector.extract_strided_slice %transpose3A {offsets = [0, 0], sizes = [1, 128], strides = [1, 1]} : vector<1x256xf32> to vector<1x128xf32>
    %slice3A_69 = vector.extract_strided_slice %transpose3A {offsets = [0, 128], sizes = [1, 128], strides = [1, 1]} : vector<1x256xf32> to vector<1x128xf32>
    %concatenate3A = tpu.concatenate %slice3A, %slice3A_69 in 0 : vector<1x128xf32>, vector<1x128xf32> -> vector<2x128xf32>
    %slice3A_70 = vector.extract_strided_slice %transpose3A_68 {offsets = [0, 0], sizes = [1, 128], strides = [1, 1]} : vector<1x256xf32> to vector<1x128xf32>
    %slice3A_71 = vector.extract_strided_slice %transpose3A_68 {offsets = [0, 128], sizes = [1, 128], strides = [1, 1]} : vector<1x256xf32> to vector<1x128xf32>
    %concatenate3A_72 = tpu.concatenate %slice3A_70, %slice3A_71 in 0 : vector<1x128xf32>, vector<1x128xf32> -> vector<2x128xf32>
    %eq3A_73 = arith.cmpf oeq, %reshape3A, %concatenate3A : vector<2x128xf32>
    %convert_element_type3A_74 = arith.extui %eq3A_73 : vector<2x128xi1> to vector<2x128xi32>
    %convert_element_type3A_75 = arith.sitofp %convert_element_type3A_74 : vector<2x128xi32> to vector<2x128xf32>
    %broadcast_in_dim3A_76 = arith.constant 0 : i32
    %broadcast_in_dim3A_77 = vector.broadcast %broadcast_in_dim3A_76 : i32 to vector<2x128xi32>
    %gt3A_78 = arith.constant 1.000000e-01 : f32
    %gt3A_79 = vector.broadcast %gt3A_78 : f32 to vector<2x128xf32>
    %gt3A_80 = arith.cmpf ogt, %concatenate3A_72, %gt3A_79 : vector<2x128xf32>
    %convert_element_type3A_81 = arith.extui %gt3A_80 : vector<2x128xi1> to vector<2x128xi32>
    %add3A_82 = arith.addi %broadcast_in_dim3A_77, %convert_element_type3A_81 : vector<2x128xi32>
    %gt3A_83 = arith.constant 2.000000e-01 : f32
    %gt3A_84 = vector.broadcast %gt3A_83 : f32 to vector<2x128xf32>
    %gt3A_85 = arith.cmpf ogt, %concatenate3A_72, %gt3A_84 : vector<2x128xf32>
    %convert_element_type3A_86 = arith.extui %gt3A_85 : vector<2x128xi1> to vector<2x128xi32>
    %add3A_87 = arith.addi %add3A_82, %convert_element_type3A_86 : vector<2x128xi32>
    %gt3A_88 = arith.constant 3.000000e-01 : f32
    %gt3A_89 = vector.broadcast %gt3A_88 : f32 to vector<2x128xf32>
    %gt3A_90 = arith.cmpf ogt, %concatenate3A_72, %gt3A_89 : vector<2x128xf32>
    %convert_element_type3A_91 = arith.extui %gt3A_90 : vector<2x128xi1> to vector<2x128xi32>
    %add3A_92 = arith.addi %add3A_87, %convert_element_type3A_91 : vector<2x128xi32>
    %gt3A_93 = arith.constant 4.000000e-01 : f32
    %gt3A_94 = vector.broadcast %gt3A_93 : f32 to vector<2x128xf32>
    %gt3A_95 = arith.cmpf ogt, %concatenate3A_72, %gt3A_94 : vector<2x128xf32>
    %convert_element_type3A_96 = arith.extui %gt3A_95 : vector<2x128xi1> to vector<2x128xi32>
    %add3A_97 = arith.addi %add3A_92, %convert_element_type3A_96 : vector<2x128xi32>
    %gt3A_98 = arith.constant 5.000000e-01 : f32
    %gt3A_99 = vector.broadcast %gt3A_98 : f32 to vector<2x128xf32>
    %gt3A_100 = arith.cmpf ogt, %concatenate3A_72, %gt3A_99 : vector<2x128xf32>
    %convert_element_type3A_101 = arith.extui %gt3A_100 : vector<2x128xi1> to vector<2x128xi32>
    %add3A_102 = arith.addi %add3A_97, %convert_element_type3A_101 : vector<2x128xi32>
    %gt3A_103 = arith.constant 6.000000e-01 : f32
    %gt3A_104 = vector.broadcast %gt3A_103 : f32 to vector<2x128xf32>
    %gt3A_105 = arith.cmpf ogt, %concatenate3A_72, %gt3A_104 : vector<2x128xf32>
    %convert_element_type3A_106 = arith.extui %gt3A_105 : vector<2x128xi1> to vector<2x128xi32>
    %add3A_107 = arith.addi %add3A_102, %convert_element_type3A_106 : vector<2x128xi32>
    %gt3A_108 = arith.constant 0.699999988 : f32
    %gt3A_109 = vector.broadcast %gt3A_108 : f32 to vector<2x128xf32>
    %gt3A_110 = arith.cmpf ogt, %concatenate3A_72, %gt3A_109 : vector<2x128xf32>
    %convert_element_type3A_111 = arith.extui %gt3A_110 : vector<2x128xi1> to vector<2x128xi32>
    %add3A_112 = arith.addi %add3A_107, %convert_element_type3A_111 : vector<2x128xi32>
    %gt3A_113 = arith.constant 8.000000e-01 : f32
    %gt3A_114 = vector.broadcast %gt3A_113 : f32 to vector<2x128xf32>
    %gt3A_115 = arith.cmpf ogt, %concatenate3A_72, %gt3A_114 : vector<2x128xf32>
    %convert_element_type3A_116 = arith.extui %gt3A_115 : vector<2x128xi1> to vector<2x128xi32>
    %add3A_117 = arith.addi %add3A_112, %convert_element_type3A_116 : vector<2x128xi32>
    %gt3A_118 = arith.constant 0.900000035 : f32
    %gt3A_119 = vector.broadcast %gt3A_118 : f32 to vector<2x128xf32>
    %gt3A_120 = arith.cmpf ogt, %concatenate3A_72, %gt3A_119 : vector<2x128xf32>
    %convert_element_type3A_121 = arith.extui %gt3A_120 : vector<2x128xi1> to vector<2x128xi32>
    %add3A_122 = arith.addi %add3A_117, %convert_element_type3A_121 : vector<2x128xi32>
    %iota3A_123 = tpu.iota {dimensions = array<i32: 1>} : vector<1x10xi32>
    %broadcast_in_dim3A_124 = arith.constant 0.000000e+00 : f32
    %broadcast_in_dim3A_125 = vector.broadcast %broadcast_in_dim3A_124 : f32 to vector<1x10xf32>
    %eq3A_126 = arith.constant 0 : i32
    %eq3A_127 = vector.broadcast %eq3A_126 : i32 to vector<2x128xi32>
    %eq3A_128 = arith.cmpi eq, %add3A_122, %eq3A_127 : vector<2x128xi32>
    %jit3A = arith.constant 0.000000e+00 : f32
    %broadcast_in_dim3A_129 = vector.broadcast %jit3A : f32 to vector<2x128xf32>
    %select_n3A = arith.select %eq3A_128, %convert_element_type3A_75, %broadcast_in_dim3A_129 : vector<2x128xi1>, vector<2x128xf32>
    %reduce_sum3A_130 = vector.shape_cast %select_n3A : vector<2x128xf32> to vector<1x2x128xf32>
    %reduce_sum3A_131 = arith.constant dense<0.000000e+00> : vector<1xf32>
    %reduce_sum3A_132 = vector.multi_reduction <add>, %reduce_sum3A_130, %reduce_sum3A_131 [1, 2] : vector<1x2x128xf32> to vector<1xf32>
    %reduce_sum3A_133 = vector.shape_cast %reduce_sum3A_132 : vector<1xf32> to vector<1x1x1xf32>
    %reduce_sum3A_134 = vector.extract %reduce_sum3A_133[0, 0, 0] : f32 from vector<1x1x1xf32>
    %eq3A_135 = arith.constant 0 : i32
    %eq3A_136 = vector.broadcast %eq3A_135 : i32 to vector<1x10xi32>
    %eq3A_137 = arith.cmpi eq, %iota3A_123, %eq3A_136 : vector<1x10xi32>
    %jit3A_138 = arith.constant 0.000000e+00 : f32
    %broadcast_in_dim3A_139 = vector.broadcast %reduce_sum3A_134 : f32 to vector<1x10xf32>
    %broadcast_in_dim3A_140 = vector.broadcast %jit3A_138 : f32 to vector<1x10xf32>
    %select_n3A_141 = arith.select %eq3A_137, %broadcast_in_dim3A_139, %broadcast_in_dim3A_140 : vector<1x10xi1>, vector<1x10xf32>
    %add3A_142 = arith.addf %broadcast_in_dim3A_125, %select_n3A_141 : vector<1x10xf32>
    %eq3A_143 = arith.constant 1 : i32
    %eq3A_144 = vector.broadcast %eq3A_143 : i32 to vector<2x128xi32>
    %eq3A_145 = arith.cmpi eq, %add3A_122, %eq3A_144 : vector<2x128xi32>
    %jit3A_146 = arith.constant 0.000000e+00 : f32
    %broadcast_in_dim3A_147 = vector.broadcast %jit3A_146 : f32 to vector<2x128xf32>
    %select_n3A_148 = arith.select %eq3A_145, %convert_element_type3A_75, %broadcast_in_dim3A_147 : vector<2x128xi1>, vector<2x128xf32>
    %reduce_sum3A_149 = vector.shape_cast %select_n3A_148 : vector<2x128xf32> to vector<1x2x128xf32>
    %reduce_sum3A_150 = arith.constant dense<0.000000e+00> : vector<1xf32>
    %reduce_sum3A_151 = vector.multi_reduction <add>, %reduce_sum3A_149, %reduce_sum3A_150 [1, 2] : vector<1x2x128xf32> to vector<1xf32>
    %reduce_sum3A_152 = vector.shape_cast %reduce_sum3A_151 : vector<1xf32> to vector<1x1x1xf32>
    %reduce_sum3A_153 = vector.extract %reduce_sum3A_152[0, 0, 0] : f32 from vector<1x1x1xf32>
    %eq3A_154 = arith.constant 1 : i32
    %eq3A_155 = vector.broadcast %eq3A_154 : i32 to vector<1x10xi32>
    %eq3A_156 = arith.cmpi eq, %iota3A_123, %eq3A_155 : vector<1x10xi32>
    %jit3A_157 = arith.constant 0.000000e+00 : f32
    %broadcast_in_dim3A_158 = vector.broadcast %reduce_sum3A_153 : f32 to vector<1x10xf32>
    %broadcast_in_dim3A_159 = vector.broadcast %jit3A_157 : f32 to vector<1x10xf32>
    %select_n3A_160 = arith.select %eq3A_156, %broadcast_in_dim3A_158, %broadcast_in_dim3A_159 : vector<1x10xi1>, vector<1x10xf32>
    %add3A_161 = arith.addf %add3A_142, %select_n3A_160 : vector<1x10xf32>
    %eq3A_162 = arith.constant 2 : i32
    %eq3A_163 = vector.broadcast %eq3A_162 : i32 to vector<2x128xi32>
    %eq3A_164 = arith.cmpi eq, %add3A_122, %eq3A_163 : vector<2x128xi32>
    %jit3A_165 = arith.constant 0.000000e+00 : f32
    %broadcast_in_dim3A_166 = vector.broadcast %jit3A_165 : f32 to vector<2x128xf32>
    %select_n3A_167 = arith.select %eq3A_164, %convert_element_type3A_75, %broadcast_in_dim3A_166 : vector<2x128xi1>, vector<2x128xf32>
    %reduce_sum3A_168 = vector.shape_cast %select_n3A_167 : vector<2x128xf32> to vector<1x2x128xf32>
    %reduce_sum3A_169 = arith.constant dense<0.000000e+00> : vector<1xf32>
    %reduce_sum3A_170 = vector.multi_reduction <add>, %reduce_sum3A_168, %reduce_sum3A_169 [1, 2] : vector<1x2x128xf32> to vector<1xf32>
    %reduce_sum3A_171 = vector.shape_cast %reduce_sum3A_170 : vector<1xf32> to vector<1x1x1xf32>
    %reduce_sum3A_172 = vector.extract %reduce_sum3A_171[0, 0, 0] : f32 from vector<1x1x1xf32>
    %eq3A_173 = arith.constant 2 : i32
    %eq3A_174 = vector.broadcast %eq3A_173 : i32 to vector<1x10xi32>
    %eq3A_175 = arith.cmpi eq, %iota3A_123, %eq3A_174 : vector<1x10xi32>
    %jit3A_176 = arith.constant 0.000000e+00 : f32
    %broadcast_in_dim3A_177 = vector.broadcast %reduce_sum3A_172 : f32 to vector<1x10xf32>
    %broadcast_in_dim3A_178 = vector.broadcast %jit3A_176 : f32 to vector<1x10xf32>
    %select_n3A_179 = arith.select %eq3A_175, %broadcast_in_dim3A_177, %broadcast_in_dim3A_178 : vector<1x10xi1>, vector<1x10xf32>
    %add3A_180 = arith.addf %add3A_161, %select_n3A_179 : vector<1x10xf32>
    %eq3A_181 = arith.constant 3 : i32
    %eq3A_182 = vector.broadcast %eq3A_181 : i32 to vector<2x128xi32>
    %eq3A_183 = arith.cmpi eq, %add3A_122, %eq3A_182 : vector<2x128xi32>
    %jit3A_184 = arith.constant 0.000000e+00 : f32
    %broadcast_in_dim3A_185 = vector.broadcast %jit3A_184 : f32 to vector<2x128xf32>
    %select_n3A_186 = arith.select %eq3A_183, %convert_element_type3A_75, %broadcast_in_dim3A_185 : vector<2x128xi1>, vector<2x128xf32>
    %reduce_sum3A_187 = vector.shape_cast %select_n3A_186 : vector<2x128xf32> to vector<1x2x128xf32>
    %reduce_sum3A_188 = arith.constant dense<0.000000e+00> : vector<1xf32>
    %reduce_sum3A_189 = vector.multi_reduction <add>, %reduce_sum3A_187, %reduce_sum3A_188 [1, 2] : vector<1x2x128xf32> to vector<1xf32>
    %reduce_sum3A_190 = vector.shape_cast %reduce_sum3A_189 : vector<1xf32> to vector<1x1x1xf32>
    %reduce_sum3A_191 = vector.extract %reduce_sum3A_190[0, 0, 0] : f32 from vector<1x1x1xf32>
    %eq3A_192 = arith.constant 3 : i32
    %eq3A_193 = vector.broadcast %eq3A_192 : i32 to vector<1x10xi32>
    %eq3A_194 = arith.cmpi eq, %iota3A_123, %eq3A_193 : vector<1x10xi32>
    %jit3A_195 = arith.constant 0.000000e+00 : f32
    %broadcast_in_dim3A_196 = vector.broadcast %reduce_sum3A_191 : f32 to vector<1x10xf32>
    %broadcast_in_dim3A_197 = vector.broadcast %jit3A_195 : f32 to vector<1x10xf32>
    %select_n3A_198 = arith.select %eq3A_194, %broadcast_in_dim3A_196, %broadcast_in_dim3A_197 : vector<1x10xi1>, vector<1x10xf32>
    %add3A_199 = arith.addf %add3A_180, %select_n3A_198 : vector<1x10xf32>
    %eq3A_200 = arith.constant 4 : i32
    %eq3A_201 = vector.broadcast %eq3A_200 : i32 to vector<2x128xi32>
    %eq3A_202 = arith.cmpi eq, %add3A_122, %eq3A_201 : vector<2x128xi32>
    %jit3A_203 = arith.constant 0.000000e+00 : f32
    %broadcast_in_dim3A_204 = vector.broadcast %jit3A_203 : f32 to vector<2x128xf32>
    %select_n3A_205 = arith.select %eq3A_202, %convert_element_type3A_75, %broadcast_in_dim3A_204 : vector<2x128xi1>, vector<2x128xf32>
    %reduce_sum3A_206 = vector.shape_cast %select_n3A_205 : vector<2x128xf32> to vector<1x2x128xf32>
    %reduce_sum3A_207 = arith.constant dense<0.000000e+00> : vector<1xf32>
    %reduce_sum3A_208 = vector.multi_reduction <add>, %reduce_sum3A_206, %reduce_sum3A_207 [1, 2] : vector<1x2x128xf32> to vector<1xf32>
    %reduce_sum3A_209 = vector.shape_cast %reduce_sum3A_208 : vector<1xf32> to vector<1x1x1xf32>
    %reduce_sum3A_210 = vector.extract %reduce_sum3A_209[0, 0, 0] : f32 from vector<1x1x1xf32>
    %eq3A_211 = arith.constant 4 : i32
    %eq3A_212 = vector.broadcast %eq3A_211 : i32 to vector<1x10xi32>
    %eq3A_213 = arith.cmpi eq, %iota3A_123, %eq3A_212 : vector<1x10xi32>
    %jit3A_214 = arith.constant 0.000000e+00 : f32
    %broadcast_in_dim3A_215 = vector.broadcast %reduce_sum3A_210 : f32 to vector<1x10xf32>
    %broadcast_in_dim3A_216 = vector.broadcast %jit3A_214 : f32 to vector<1x10xf32>
    %select_n3A_217 = arith.select %eq3A_213, %broadcast_in_dim3A_215, %broadcast_in_dim3A_216 : vector<1x10xi1>, vector<1x10xf32>
    %add3A_218 = arith.addf %add3A_199, %select_n3A_217 : vector<1x10xf32>
    %eq3A_219 = arith.constant 5 : i32
    %eq3A_220 = vector.broadcast %eq3A_219 : i32 to vector<2x128xi32>
    %eq3A_221 = arith.cmpi eq, %add3A_122, %eq3A_220 : vector<2x128xi32>
    %jit3A_222 = arith.constant 0.000000e+00 : f32
    %broadcast_in_dim3A_223 = vector.broadcast %jit3A_222 : f32 to vector<2x128xf32>
    %select_n3A_224 = arith.select %eq3A_221, %convert_element_type3A_75, %broadcast_in_dim3A_223 : vector<2x128xi1>, vector<2x128xf32>
    %reduce_sum3A_225 = vector.shape_cast %select_n3A_224 : vector<2x128xf32> to vector<1x2x128xf32>
    %reduce_sum3A_226 = arith.constant dense<0.000000e+00> : vector<1xf32>
    %reduce_sum3A_227 = vector.multi_reduction <add>, %reduce_sum3A_225, %reduce_sum3A_226 [1, 2] : vector<1x2x128xf32> to vector<1xf32>
    %reduce_sum3A_228 = vector.shape_cast %reduce_sum3A_227 : vector<1xf32> to vector<1x1x1xf32>
    %reduce_sum3A_229 = vector.extract %reduce_sum3A_228[0, 0, 0] : f32 from vector<1x1x1xf32>
    %eq3A_230 = arith.constant 5 : i32
    %eq3A_231 = vector.broadcast %eq3A_230 : i32 to vector<1x10xi32>
    %eq3A_232 = arith.cmpi eq, %iota3A_123, %eq3A_231 : vector<1x10xi32>
    %jit3A_233 = arith.constant 0.000000e+00 : f32
    %broadcast_in_dim3A_234 = vector.broadcast %reduce_sum3A_229 : f32 to vector<1x10xf32>
    %broadcast_in_dim3A_235 = vector.broadcast %jit3A_233 : f32 to vector<1x10xf32>
    %select_n3A_236 = arith.select %eq3A_232, %broadcast_in_dim3A_234, %broadcast_in_dim3A_235 : vector<1x10xi1>, vector<1x10xf32>
    %add3A_237 = arith.addf %add3A_218, %select_n3A_236 : vector<1x10xf32>
    %eq3A_238 = arith.constant 6 : i32
    %eq3A_239 = vector.broadcast %eq3A_238 : i32 to vector<2x128xi32>
    %eq3A_240 = arith.cmpi eq, %add3A_122, %eq3A_239 : vector<2x128xi32>
    %jit3A_241 = arith.constant 0.000000e+00 : f32
    %broadcast_in_dim3A_242 = vector.broadcast %jit3A_241 : f32 to vector<2x128xf32>
    %select_n3A_243 = arith.select %eq3A_240, %convert_element_type3A_75, %broadcast_in_dim3A_242 : vector<2x128xi1>, vector<2x128xf32>
    %reduce_sum3A_244 = vector.shape_cast %select_n3A_243 : vector<2x128xf32> to vector<1x2x128xf32>
    %reduce_sum3A_245 = arith.constant dense<0.000000e+00> : vector<1xf32>
    %reduce_sum3A_246 = vector.multi_reduction <add>, %reduce_sum3A_244, %reduce_sum3A_245 [1, 2] : vector<1x2x128xf32> to vector<1xf32>
    %reduce_sum3A_247 = vector.shape_cast %reduce_sum3A_246 : vector<1xf32> to vector<1x1x1xf32>
    %reduce_sum3A_248 = vector.extract %reduce_sum3A_247[0, 0, 0] : f32 from vector<1x1x1xf32>
    %eq3A_249 = arith.constant 6 : i32
    %eq3A_250 = vector.broadcast %eq3A_249 : i32 to vector<1x10xi32>
    %eq3A_251 = arith.cmpi eq, %iota3A_123, %eq3A_250 : vector<1x10xi32>
    %jit3A_252 = arith.constant 0.000000e+00 : f32
    %broadcast_in_dim3A_253 = vector.broadcast %reduce_sum3A_248 : f32 to vector<1x10xf32>
    %broadcast_in_dim3A_254 = vector.broadcast %jit3A_252 : f32 to vector<1x10xf32>
    %select_n3A_255 = arith.select %eq3A_251, %broadcast_in_dim3A_253, %broadcast_in_dim3A_254 : vector<1x10xi1>, vector<1x10xf32>
    %add3A_256 = arith.addf %add3A_237, %select_n3A_255 : vector<1x10xf32>
    %eq3A_257 = arith.constant 7 : i32
    %eq3A_258 = vector.broadcast %eq3A_257 : i32 to vector<2x128xi32>
    %eq3A_259 = arith.cmpi eq, %add3A_122, %eq3A_258 : vector<2x128xi32>
    %jit3A_260 = arith.constant 0.000000e+00 : f32
    %broadcast_in_dim3A_261 = vector.broadcast %jit3A_260 : f32 to vector<2x128xf32>
    %select_n3A_262 = arith.select %eq3A_259, %convert_element_type3A_75, %broadcast_in_dim3A_261 : vector<2x128xi1>, vector<2x128xf32>
    %reduce_sum3A_263 = vector.shape_cast %select_n3A_262 : vector<2x128xf32> to vector<1x2x128xf32>
    %reduce_sum3A_264 = arith.constant dense<0.000000e+00> : vector<1xf32>
    %reduce_sum3A_265 = vector.multi_reduction <add>, %reduce_sum3A_263, %reduce_sum3A_264 [1, 2] : vector<1x2x128xf32> to vector<1xf32>
    %reduce_sum3A_266 = vector.shape_cast %reduce_sum3A_265 : vector<1xf32> to vector<1x1x1xf32>
    %reduce_sum3A_267 = vector.extract %reduce_sum3A_266[0, 0, 0] : f32 from vector<1x1x1xf32>
    %eq3A_268 = arith.constant 7 : i32
    %eq3A_269 = vector.broadcast %eq3A_268 : i32 to vector<1x10xi32>
    %eq3A_270 = arith.cmpi eq, %iota3A_123, %eq3A_269 : vector<1x10xi32>
    %jit3A_271 = arith.constant 0.000000e+00 : f32
    %broadcast_in_dim3A_272 = vector.broadcast %reduce_sum3A_267 : f32 to vector<1x10xf32>
    %broadcast_in_dim3A_273 = vector.broadcast %jit3A_271 : f32 to vector<1x10xf32>
    %select_n3A_274 = arith.select %eq3A_270, %broadcast_in_dim3A_272, %broadcast_in_dim3A_273 : vector<1x10xi1>, vector<1x10xf32>
    %add3A_275 = arith.addf %add3A_256, %select_n3A_274 : vector<1x10xf32>
    %eq3A_276 = arith.constant 8 : i32
    %eq3A_277 = vector.broadcast %eq3A_276 : i32 to vector<2x128xi32>
    %eq3A_278 = arith.cmpi eq, %add3A_122, %eq3A_277 : vector<2x128xi32>
    %jit3A_279 = arith.constant 0.000000e+00 : f32
    %broadcast_in_dim3A_280 = vector.broadcast %jit3A_279 : f32 to vector<2x128xf32>
    %select_n3A_281 = arith.select %eq3A_278, %convert_element_type3A_75, %broadcast_in_dim3A_280 : vector<2x128xi1>, vector<2x128xf32>
    %reduce_sum3A_282 = vector.shape_cast %select_n3A_281 : vector<2x128xf32> to vector<1x2x128xf32>
    %reduce_sum3A_283 = arith.constant dense<0.000000e+00> : vector<1xf32>
    %reduce_sum3A_284 = vector.multi_reduction <add>, %reduce_sum3A_282, %reduce_sum3A_283 [1, 2] : vector<1x2x128xf32> to vector<1xf32>
    %reduce_sum3A_285 = vector.shape_cast %reduce_sum3A_284 : vector<1xf32> to vector<1x1x1xf32>
    %reduce_sum3A_286 = vector.extract %reduce_sum3A_285[0, 0, 0] : f32 from vector<1x1x1xf32>
    %eq3A_287 = arith.constant 8 : i32
    %eq3A_288 = vector.broadcast %eq3A_287 : i32 to vector<1x10xi32>
    %eq3A_289 = arith.cmpi eq, %iota3A_123, %eq3A_288 : vector<1x10xi32>
    %jit3A_290 = arith.constant 0.000000e+00 : f32
    %broadcast_in_dim3A_291 = vector.broadcast %reduce_sum3A_286 : f32 to vector<1x10xf32>
    %broadcast_in_dim3A_292 = vector.broadcast %jit3A_290 : f32 to vector<1x10xf32>
    %select_n3A_293 = arith.select %eq3A_289, %broadcast_in_dim3A_291, %broadcast_in_dim3A_292 : vector<1x10xi1>, vector<1x10xf32>
    %add3A_294 = arith.addf %add3A_275, %select_n3A_293 : vector<1x10xf32>
    %eq3A_295 = arith.constant 9 : i32
    %eq3A_296 = vector.broadcast %eq3A_295 : i32 to vector<2x128xi32>
    %eq3A_297 = arith.cmpi eq, %add3A_122, %eq3A_296 : vector<2x128xi32>
    %jit3A_298 = arith.constant 0.000000e+00 : f32
    %broadcast_in_dim3A_299 = vector.broadcast %jit3A_298 : f32 to vector<2x128xf32>
    %select_n3A_300 = arith.select %eq3A_297, %convert_element_type3A_75, %broadcast_in_dim3A_299 : vector<2x128xi1>, vector<2x128xf32>
    %reduce_sum3A_301 = vector.shape_cast %select_n3A_300 : vector<2x128xf32> to vector<1x2x128xf32>
    %reduce_sum3A_302 = arith.constant dense<0.000000e+00> : vector<1xf32>
    %reduce_sum3A_303 = vector.multi_reduction <add>, %reduce_sum3A_301, %reduce_sum3A_302 [1, 2] : vector<1x2x128xf32> to vector<1xf32>
    %reduce_sum3A_304 = vector.shape_cast %reduce_sum3A_303 : vector<1xf32> to vector<1x1x1xf32>
    %reduce_sum3A_305 = vector.extract %reduce_sum3A_304[0, 0, 0] : f32 from vector<1x1x1xf32>
    %eq3A_306 = arith.constant 9 : i32
    %eq3A_307 = vector.broadcast %eq3A_306 : i32 to vector<1x10xi32>
    %eq3A_308 = arith.cmpi eq, %iota3A_123, %eq3A_307 : vector<1x10xi32>
    %jit3A_309 = arith.constant 0.000000e+00 : f32
    %broadcast_in_dim3A_310 = vector.broadcast %reduce_sum3A_305 : f32 to vector<1x10xf32>
    %broadcast_in_dim3A_311 = vector.broadcast %jit3A_309 : f32 to vector<1x10xf32>
    %select_n3A_312 = arith.select %eq3A_308, %broadcast_in_dim3A_310, %broadcast_in_dim3A_311 : vector<1x10xi1>, vector<1x10xf32>
    %add3A_313 = arith.addf %add3A_294, %select_n3A_312 : vector<1x10xf32>
    %get3A_314 = arith.constant 0 : index
    %get3A_315 = arith.constant 0 : index
    %get3A_316 = vector.load %arg4[%get3A_314, %get3A_315] : memref<3x10xf32, #tpu.memory_space<vmem>>, vector<3x10xf32>
    %concatenate3A_317 = tpu.concatenate %broadcast_in_dim3A_59, %broadcast_in_dim3A_63, %add3A_313 in 0 : vector<1x10xf32>, vector<1x10xf32>, vector<1x10xf32> -> vector<3x10xf32>
    %add3A_318 = arith.addf %get3A_316, %concatenate3A_317 : vector<3x10xf32>
    %swap3A = arith.constant 0 : index
    %swap3A_319 = arith.constant 0 : index
    %swap3A_320 = vector.load %arg4[%swap3A, %swap3A_319] : memref<3x10xf32, #tpu.memory_space<vmem>>, vector<3x10xf32>
    tpu.vector_store %arg4[%swap3A, %swap3A_319], %add3A_318 {strides = array<i32>} : memref<3x10xf32, #tpu.memory_space<vmem>>, vector<3x10xf32>,
    %eq3A_321 = arith.constant 255 : i32
    %eq3A_322 = arith.cmpi eq, %arg0, %eq3A_321 : i32
    %convert_element_type3A_323 = arith.extui %eq3A_322 : i1 to i32
    %cond3A_324 = arith.constant 0 : i32
    %cond3A_325 = arith.cmpi ne, %convert_element_type3A_323, %cond3A_324 : i32
    scf.if %cond3A_325 {
      %get3A_326 = arith.constant 0 : index
      %get3A_327 = arith.constant 0 : index
      %get3A_328 = vector.load %arg4[%get3A_326, %get3A_327] : memref<3x10xf32, #tpu.memory_space<vmem>>, vector<3x10xf32>
      %slice3A_329 = vector.extract_strided_slice %get3A_328 {offsets = [0, 0], sizes = [1, 10], strides = [1, 1]} : vector<3x10xf32> to vector<1x10xf32>
      %max3A = arith.constant 1.000000e+00 : f32
      %max3A_330 = vector.broadcast %max3A : f32 to vector<1x10xf32>
      %max3A_331 = arith.maximumf %slice3A_329, %max3A_330 : vector<1x10xf32>
      %slice3A_332 = vector.extract_strided_slice %get3A_328 {offsets = [1, 0], sizes = [1, 10], strides = [1, 1]} : vector<3x10xf32> to vector<1x10xf32>
      %div3A_333 = arith.divf %slice3A_332, %max3A_331 : vector<1x10xf32>
      %slice3A_334 = vector.extract_strided_slice %get3A_328 {offsets = [2, 0], sizes = [1, 10], strides = [1, 1]} : vector<3x10xf32> to vector<1x10xf32>
      %div3A_335 = arith.divf %slice3A_334, %max3A_331 : vector<1x10xf32>
      %sub3A = arith.subf %div3A_333, %div3A_335 : vector<1x10xf32>
      %mul3A_336 = arith.constant 2.560000e+02 : f32
      %mul3A_337 = arith.constant 2.560000e+02 : f32
      %mul3A_338 = arith.mulf %mul3A_336, %mul3A_337 : f32
      %div3A_339 = vector.broadcast %mul3A_338 : f32 to vector<1x10xf32>
      %div3A_340 = arith.divf %slice3A_329, %div3A_339 : vector<1x10xf32>
      %gt3A_341 = arith.constant 0.000000e+00 : f32
      %gt3A_342 = vector.broadcast %gt3A_341 : f32 to vector<1x10xf32>
      %gt3A_343 = arith.cmpf ogt, %slice3A_329, %gt3A_342 : vector<1x10xf32>
      %abs3A = math.absf %sub3A : vector<1x10xf32>
      %mul3A_344 = arith.mulf %abs3A, %div3A_340 : vector<1x10xf32>
      %jit3A_345 = arith.constant 0.000000e+00 : f32
      %broadcast_in_dim3A_346 = vector.broadcast %jit3A_345 : f32 to vector<1x10xf32>
      %select_n3A_347 = arith.select %gt3A_343, %mul3A_344, %broadcast_in_dim3A_346 : vector<1x10xi1>, vector<1x10xf32>
      %reduce_sum3A_348 = vector.shape_cast %select_n3A_347 : vector<1x10xf32> to vector<1x1x10xf32>
      %reduce_sum3A_349 = arith.constant dense<0.000000e+00> : vector<1xf32>
      %reduce_sum3A_350 = vector.multi_reduction <add>, %reduce_sum3A_348, %reduce_sum3A_349 [1, 2] : vector<1x1x10xf32> to vector<1xf32>
      %reduce_sum3A_351 = vector.shape_cast %reduce_sum3A_350 : vector<1xf32> to vector<1x1x1xf32>
      %reduce_sum3A_352 = vector.extract %reduce_sum3A_351[0, 0, 0] : f32 from vector<1x1x1xf32>
      %mul3A_353 = arith.mulf %sub3A, %div3A_340 : vector<1x10xf32>
      %jit3A_354 = arith.constant 0.000000e+00 : f32
      %broadcast_in_dim3A_355 = vector.broadcast %jit3A_354 : f32 to vector<1x10xf32>
      %select_n3A_356 = arith.select %gt3A_343, %mul3A_353, %broadcast_in_dim3A_355 : vector<1x10xi1>, vector<1x10xf32>
      %reduce_sum3A_357 = vector.shape_cast %select_n3A_356 : vector<1x10xf32> to vector<1x1x10xf32>
      %reduce_sum3A_358 = arith.constant dense<0.000000e+00> : vector<1xf32>
      %reduce_sum3A_359 = vector.multi_reduction <add>, %reduce_sum3A_357, %reduce_sum3A_358 [1, 2] : vector<1x1x10xf32> to vector<1xf32>
      %reduce_sum3A_360 = vector.shape_cast %reduce_sum3A_359 : vector<1xf32> to vector<1x1x1xf32>
      %reduce_sum3A_361 = vector.extract %reduce_sum3A_360[0, 0, 0] : f32 from vector<1x1x1xf32>
      %abs3A_362 = math.absf %sub3A : vector<1x10xf32>
      %jit3A_363 = arith.constant 0xFF800000 : f32
      %broadcast_in_dim3A_364 = vector.broadcast %jit3A_363 : f32 to vector<1x10xf32>
      %select_n3A_365 = arith.select %gt3A_343, %abs3A_362, %broadcast_in_dim3A_364 : vector<1x10xi1>, vector<1x10xf32>
      %reduce_max3A_366 = vector.shape_cast %select_n3A_365 : vector<1x10xf32> to vector<1x1x10xf32>
      %reduce_max3A_367 = arith.constant dense<0xFF800000> : vector<1xf32>
      %reduce_max3A_368 = vector.multi_reduction <maximumf>, %reduce_max3A_366, %reduce_max3A_367 [1, 2] : vector<1x1x10xf32> to vector<1xf32>
      %reduce_max3A_369 = vector.shape_cast %reduce_max3A_368 : vector<1xf32> to vector<1x1x1xf32>
      %reduce_max3A_370 = vector.extract %reduce_max3A_369[0, 0, 0] : f32 from vector<1x1x1xf32>
      %iota3A_371 = tpu.iota {dimensions = array<i32: 1>} : vector<1x128xi32>
      %eq3A_372 = arith.constant 0 : i32
      %eq3A_373 = vector.broadcast %eq3A_372 : i32 to vector<1x128xi32>
      %eq3A_374 = arith.cmpi eq, %iota3A_371, %eq3A_373 : vector<1x128xi32>
      %eq3A_375 = arith.constant 1 : i32
      %eq3A_376 = vector.broadcast %eq3A_375 : i32 to vector<1x128xi32>
      %eq3A_377 = arith.cmpi eq, %iota3A_371, %eq3A_376 : vector<1x128xi32>
      %eq3A_378 = arith.constant 2 : i32
      %eq3A_379 = vector.broadcast %eq3A_378 : i32 to vector<1x128xi32>
      %eq3A_380 = arith.cmpi eq, %iota3A_371, %eq3A_379 : vector<1x128xi32>
      %jit3A_381 = arith.constant 0.000000e+00 : f32
      %broadcast_in_dim3A_382 = vector.broadcast %reduce_max3A_370 : f32 to vector<1x128xf32>
      %broadcast_in_dim3A_383 = vector.broadcast %jit3A_381 : f32 to vector<1x128xf32>
      %select_n3A_384 = arith.select %eq3A_380, %broadcast_in_dim3A_382, %broadcast_in_dim3A_383 : vector<1x128xi1>, vector<1x128xf32>
      %broadcast_in_dim3A_385 = vector.broadcast %reduce_sum3A_361 : f32 to vector<1x128xf32>
      %select_n3A_386 = arith.select %eq3A_377, %broadcast_in_dim3A_385, %select_n3A_384 : vector<1x128xi1>, vector<1x128xf32>
      %broadcast_in_dim3A_387 = vector.broadcast %reduce_sum3A_352 : f32 to vector<1x128xf32>
      %select_n3A_388 = arith.select %eq3A_374, %broadcast_in_dim3A_387, %select_n3A_386 : vector<1x128xi1>, vector<1x128xf32>
      %swap3A_389 = arith.constant 0 : index
      %swap3A_390 = arith.constant 0 : index
      %swap3A_391 = vector.load %arg3[%swap3A_389, %swap3A_390] : memref<1x128xf32, #tpu.memory_space<vmem>>, vector<1x128xf32>
      tpu.vector_store %arg3[%swap3A_389, %swap3A_390], %select_n3A_388 {strides = array<i32>} : memref<1x128xf32, #tpu.memory_space<vmem>>, vector<1x128xf32>,
    } else {
    }
    return
  }
  func.func @transform_0(%arg0: i32) -> (i32, i32) {
    %c0_i32 = arith.constant 0 : i32
    %c0_i32_0 = arith.constant 0 : i32
    return %arg0, %c0_i32 : i32, i32
  }
  func.func @transform_1(%arg0: i32) -> (i32, i32, i32) {
    %c0_i32 = arith.constant 0 : i32
    %c0_i32_0 = arith.constant 0 : i32
    %c0_i32_1 = arith.constant 0 : i32
    return %arg0, %c0_i32, %c0_i32_0 : i32, i32, i32
  }
  func.func @transform_2(%arg0: i32) -> (i32, i32) {
    %c0_i32 = arith.constant 0 : i32
    %c0_i32_0 = arith.constant 0 : i32
    %c0_i32_1 = arith.constant 0 : i32
    return %c0_i32, %c0_i32_0 : i32, i32
  }
}

</mosaic_0001>

<sc_bundles>
// kernel: gather_offload_async_start
scs
__scs_entry_jumppad:
0x0: {  	(pc) =	sbr.rel $0x88, $3  }
0x1: {  	(tag) =	ssettag $0x0;
	lr =	simm.s32 $0x1  }
0x2: {  	[smem:$0x3F9F] =	sst lr;
	_ =	strace $0xD0000000  }
0x3: {  	_ = 	snop  }
0x4: {  	_ = 	snop  }
0x5: {  	_ = 	snop  }
0x6: {  	_ = 	snop  }
0x7: {  	_ = 	snop  }
__scs_overlays_trampoline_lowered:
0x8: {  	[smem:$0x3FAE] =	sst s0  }
0x9: {  	[smem:$0x3FAF] =	sst s1  }
0xa: {  	[smem:$0x3FB0] =	sst s2  }
0xb: {  	[smem:$0x3FB1] =	sst s3  }
0xc: {  	[smem:$0x3FB2] =	sst s4  }
0xd: {  	[smem:$0x3FB3] =	sst s5  }
0xe: {  	[smem:$0x3FB4] =	sst s6  }
0xf: {  	[smem:$0x3FB5] =	sst s7  }
0x10: {  	[smem:$0x3FB6] =	sst s8  }
0x11: {  	[smem:$0x3FB7] =	sst s9;
	s0 =	simm.s32 @!p0 $0x0  }
0x12: {  	s1 =	sld [smem:$0x3F9D];
	s0 =	simm.s32 @p0 $0x1  }
0x13: {  	[smem:$0x3FB8] =	sst s0;
	s0 =	simm.s32 @!p1 $0x0  }
0x14: {  	s2 =	sld [smem:$0x3F9C];
	s0 =	simm.s32 @p1 $0x1  }
0x15: {  	[smem:$0x3FB9] =	sst s0;
	s0 =	simm.s32 @!p2 $0x0  }
0x16: {  	s3 =	sld [smem:$0x3FDB];
	s0 =	simm.s32 @p2 $0x1  }
0x17: {  	s4 =	simm.s32 $0x1BF5;
	[smem:$0x3FBB] =	sst s0  }
0x18: {  	s0 =	sld [smem:$0x3F9E];
	_ =	swait.ge [sflag:s4], $0x0  }
0x19: {  	s7 =	sld [smem:$0x3F9F]  }
0x1a: {  	s8 =	sadd.s32 $0xFFFFE003, lr  }
0x1b: {  	s9 =	sadd.s32 $0xFFFFFEF7, lr;
	s5 =	simm.s32 $0xFFFFFFFF;
	p2 =	slt.u32 s8, $0xFFFFF086  }
0x1c: {  	p1 =	slt.u32 s9, $0xF7A;
	s5 =	simm.s32 @!p2 $0x0  }
0x1d: {  	s5 =	simm.s32 @p1 $0x1;
	p0 =	seq.s32 s7, s2  }
0x1e: {  	s7 =	smul.u32 @!p0 $0xF7A, s2;
	p2 =	seq.s32 @!p0 s5, $0x0  }
0x1f: {  	s9 =	smul.u32 $0xF7A, s1;
	s8 =	simm.s32 @!p0 $0x1BF5;
	p2 =	por !p2, p0  }
0x20: {  	[sflag:s8] =	ssyncset.s32 @!p0 $0xFFFFF086;
	s6 =	sadd.s32 @!p0 s3, s7;
	s7 =	simm.s32 @!p0 $0x108  }
0x21: {  	s3 =	sadd.s32 s3, s9;
	s6 =	sadd.s32 @!p0 $0x88, s6;
	s7 =	simm.s32 @p2 $0x1082  }
0x22: {  	[simem:s7], [sflag:s8] =	dma.local @!p0 [hbm:s6], $0xF7A  }
0x23: {  	s9 =	sor.u32 $0xD0000000, s2;
	s6 =	simm.s32 $0x108;
	_ =	swait.ge @!p0 [sflag:s8], $0x0  }
0x24: {  	s3 =	sadd.s32 $0x88, s3;
	s6 =	simm.s32 @!p1 $0x1082;
	[sflag:s4] =	ssyncset.s32 $0xFFFFF086  }
0x25: {  	[simem:s6], [sflag:s4] =	dma.local [hbm:s3], $0xF7A  }
0x26: {  	[smem:$0x3F9F] =	sst s1;
	(tag) =	ssettag s2;
	_ =	strace s9  }
0x27: {  	s1 =	sld [smem:$0x3FAF]  }
0x28: {  	s2 =	sld [smem:$0x3FB0]  }
0x29: {  	s4 =	sld [smem:$0x3FB2]  }
0x2a: {  	p0 =	seq.s32 s5, $0x0;
	s5 =	sld [smem:$0x3FB3]  }
0x2b: {  	s6 =	sld [smem:$0x3FB4]  }
0x2c: {  	s7 =	sld [smem:$0x3FB5]  }
0x2d: {  	s3 =	simm.s32 $0x108;
	s8 =	sld [smem:$0x3FB6]  }
0x2e: {  	s3 =	simm.s32 @!p0 $0x1082;
	s9 =	sld [smem:$0x3FB7]  }
0x2f: {  	lr =	sadd.s32 s0, s3;
	s0 =	sld [smem:$0x3FAE]  }
0x30: {  	s3 =	sld [smem:$0x3FB1]  }
0x31: {  	[smem:$0x3FBA] =	sst s10  }
0x32: {  	s10 =	sld [smem:$0x3FB8];
	_ =	sdelay $0x3  }
0x33: {  	p0 =	seq.s32 s10, $0x1;
	s10 =	sld [smem:$0x3FBA];
	_ =	sdelay $0x3  }
0x34: {  	[smem:$0x3FBA] =	sst s10  }
0x35: {  	s10 =	sld [smem:$0x3FB9];
	_ =	sdelay $0x3  }
0x36: {  	p1 =	seq.s32 s10, $0x1;
	s10 =	sld [smem:$0x3FBA];
	_ =	sdelay $0x3  }
0x37: {  	[smem:$0x3FBA] =	sst s10  }
0x38: {  	s10 =	sld [smem:$0x3FBB]  }
0x39: {  	_ = 	snop;
	(pc) =	sbr.ind lr, $3  }
0x3a: {  	_ = 	snop  }
0x3b: {  	_ = 	snop  }
0x3c: {  	p2 =	seq.s32 s10, $0x1;
	s10 =	sld [smem:$0x3FBA]  }
0x3d: {  	_ =	shalt  }
0x3e: {  	_ =	shalt  }
0x3f: {  	_ =	shalt  }
0x40: {  	_ =	shalt  }
0x41: {  	_ =	shalt  }
0x42: {  	_ =	shalt  }
0x43: {  	_ =	shalt  }
0x44: {  	_ =	shalt  }
0x45: {  	_ =	shalt  }
0x46: {  	_ =	shalt  }
0x47: {  	_ =	shalt  }
0x48: {  	_ =	shalt  }
0x49: {  	_ =	shalt  }
0x4a: {  	_ =	shalt  }
0x4b: {  	_ =	shalt  }
0x4c: {  	_ =	shalt  }
0x4d: {  	_ =	shalt  }
0x4e: {  	_ =	shalt  }
0x4f: {  	_ =	shalt  }
0x50: {  	_ =	shalt  }
0x51: {  	_ =	shalt  }
0x52: {  	_ =	shalt  }
0x53: {  	_ =	shalt  }
0x54: {  	_ =	shalt  }
0x55: {  	_ =	shalt  }
0x56: {  	_ =	shalt  }
0x57: {  	_ =	shalt  }
0x58: {  	_ =	shalt  }
0x59: {  	_ =	shalt  }
0x5a: {  	_ =	shalt  }
0x5b: {  	_ =	shalt  }
0x5c: {  	_ =	shalt  }
0x5d: {  	_ =	shalt  }
0x5e: {  	_ =	shalt  }
0x5f: {  	_ =	shalt  }
0x60: {  	_ =	shalt  }
0x61: {  	_ =	shalt  }
0x62: {  	_ =	shalt  }
0x63: {  	_ =	shalt  }
0x64: {  	_ =	shalt  }
0x65: {  	_ =	shalt  }
0x66: {  	_ =	shalt  }
0x67: {  	_ =	shalt  }
0x68: {  	_ =	shalt  }
0x69: {  	_ =	shalt  }
0x6a: {  	_ =	shalt  }
0x6b: {  	_ =	shalt  }
0x6c: {  	_ =	shalt  }
0x6d: {  	_ =	shalt  }
0x6e: {  	_ =	shalt  }
0x6f: {  	_ =	shalt  }
0x70: {  	_ =	shalt  }
0x71: {  	_ =	shalt  }
0x72: {  	_ =	shalt  }
0x73: {  	_ =	shalt  }
0x74: {  	_ =	shalt  }
0x75: {  	_ =	shalt  }
0x76: {  	_ =	shalt  }
0x77: {  	_ =	shalt  }
0x78: {  	_ =	shalt  }
0x79: {  	_ =	shalt  }
0x7a: {  	_ =	shalt  }
0x7b: {  	_ =	shalt  }
0x7c: {  	_ =	shalt  }
0x7d: {  	_ =	shalt  }
0x7e: {  	_ =	shalt  }
0x7f: {  	_ =	shalt  }
0x80: {  	_ =	shalt  }
0x81: {  	_ =	shalt  }
0x82: {  	_ =	shalt  }
0x83: {  	_ =	shalt  }
0x84: {  	_ =	shalt  }
0x85: {  	_ =	shalt  }
0x86: {  	_ =	shalt  }
0x87: {  	_ =	shalt  }
.Lfunc_end0:
.L_simem_size_0:
called_computation_lowered:
.L_overlay_start_0:
0x88: {  	s2 =	sld [smem:$0x3FD9]  }
0x89: {  	s3 =	sld [smem:$0x3FFE];
	_ =	sdelay $0x1  }
0x8a: {  	s1 =	srdreg.scid  }
0x8b: {  	s0 =	sand.u32 $0x1, s1  }
0x8c: {  	s17 =	sshll.u32 s0, $0xA;
	s2 =	sadd.s32 s3, s2  }
0x8d: {  	s2 =	sadd.s32 s2, s17  }
0x8e: {  	[smem:$0x3FC6] =	sst s2  }
0x8f: {  	_ = 	snop  }
0x90: {  	s2 =	sld [smem:$0x3FC9];
	(tm) =	ssettm $0x1  }
0x91: {  	s18 =	sld [smem:$0x3FFB];
	_ =	sdelay $0x3  }
0x92: {  	_ =	strace s18  }
0x93: {  	s3 =	sld [smem:$0x3FFC];
	_ =	sdelay $0x3  }
0x94: {  	_ =	strace s3  }
0x95: {  	s3 =	sld [smem:$0x3FFD];
	_ =	sdelay $0x3  }
0x96: {  	_ =	strace s3  }
0x97: {  	_ =	strace $0x8FFFFFFF  }
0x98: {  	s19 =	sld [smem:$0x3FDB];
	_ =	sdelay $0x1  }
0x99: {  	s4 =	simm.s32 $_scs_section_size  }
0x9a: {  	s5 =	simm.s32 $_size__tile_overlayer_lowered;
	s6 =	simm.s32 $_tile_overlayer_lowered  }
0x9b: {  	s22 =	simm.s32 $0x1BFF;
	s21 =	sshll.u32 s6, $0x1;
	s3 =	sadd.s32 s4, s19  }
0x9c: {  	s7 =	simm.s32 $0x0;
	s20 =	sshll.u32 s5, $0x1;
	s5 =	sadd.s32 s21, s3  }
0x9d: {  	[timem:s7], [sflag:s22] =	dma.local [hbm:s5], s20  }
0x9e: {  	_ =	swait.ge [sflag:s22], s20  }
0x9f: {  	s4 =	ssub.s32 $0x0, s20;
	[sflag:s22] =	ssyncset.done $0x0  }
0xa0: {  	[sflag:s22] =	ssyncadd.s32 s4;
	_ =	sdelay $0x1  }
0xa1: {  	s23 =	simm.s32 $0x1B8B  }
0xa2: {  	_ =	swait.ge [sflag:s23], $0x1  }
0xa3: {  	[sflag:s23] =	ssyncset.done $0x0  }
0xa4: {  	s25 =	simm.s32 $0x1B8E;
	s24 =	sld [smem:$0x3FFE];
	[sflag:s23] =	ssyncadd.s32 $0xFFFFFFFF  }
0xa5: {  	s26 =	simm.s32 $execute0_lowered;
	[smem:$0x3FD2] =	sst s25  }
0xa6: {  	s5 =	sshll.u32 s26, $0x1;
	_ =	strace $0x80000046;
	[dreg:$0x1] =	wrdreg $0xFFFFFFFF  }
0xa7: {  	s28 =	simm.s32 $_size_execute0_lowered;
	s3 =	sadd.s32 s3, s5;
	[dreg:$0x0] =	wrdreg $0x0  }
0xa8: {  	s5 =	sshll.u32 s28, $0x1;
	[dreg:$0x2] =	wrdreg s3  }
0xa9: {  	[dreg:$0x3] =	wrdreg s5  }
0xaa: {  	[dreg:$0x4] =	wrdreg $0xC0  }
0xab: {  	_ =	task [dreg:s7], $0x5FFFF  }
0xac: {  	[dreg:$0x1] =	wrdreg $0xFFFFFFFF  }
0xad: {  	[dreg:$0x0] =	wrdreg $0x60  }
0xae: {  	[dreg:$0x2] =	wrdreg s2  }
0xaf: {  	[dreg:$0x3] =	wrdreg s24  }
0xb0: {  	[dreg:$0x4] =	wrdreg $0x9  }
0xb1: {  	_ =	task.clear_ibuf [dreg:s7], $0x5FFFF;
	_ =	strace $0x90000046  }
0xb2: {  	s29 =	simm.s32 $0x9;
	_ =	strace $0x80000048  }
0xb3: {  	_ =	swait.ge [sflag:s29], $0x1  }
0xb4: {  	[sflag:s29] =	ssyncadd.s32 $0xFFFFFFFF  }
0xb5: {  	_ =	strace $0x90000048  }
0xb6: {  	_ =	sfence  }
0xb7: {  	s30 =	sld [smem:$0x0];
	_ =	sdelay $0x2  }
0xb8: {  	s31 =	sshll.u32 s1, $0xD;
	s1 =	sshrl.u32 s1, $0x2  }
0xb9: {  	s3 =	sand.u32 $0x4000, s31;
	s1 =	sadd.s32 s1, s30  }
0xba: {  	s0 =	sor.u32 s3, s0;
	s1 =	sshll.u32 s1, $0x11  }
0xbb: {  	s0 =	sor.u32 s1, s0  }
0xbc: {  	s0 =	sadd.s32 $0x8F2B, s0  }
0xbd: {  	[sflag:s0] =	ssyncadd.remote.s32 $0x1  }
0xbe: {  	_ =	sfence.sel $0xFFFF  }
0xbf: {  	[dreg:$0x0] =	wrdreg $0xFFFFFFFF;
	(pc) =	sbr.abs _section_cstart, $3  }
0xc0: {  	[dreg:$0x1] =	wrdreg $0xFFFFFFFF  }
0xc1: {  	_ =	task.clear_ibuf [dreg:s7], $0x2FFFF;
	_ =	strace $0x9FFFFFFF  }
0xc2: {  	(tm) =	ssettm $0x7FFFFFFF  }
0xc3: {  	_ =	shalt  }
tec
execute0_lowered:
.L_overlay_start_1:
0x0: {  	(tag) =	ssettag $0x1  }
0x1: {  	s1 =	srdreg.scid;
	s2 =	rddreg [dreg:$0x0]  }
0x2: {  	s0 =	stileid.u32;
	s5 =	rddreg [dreg:$0x1];
	s6 =	simm.s32 $0x1  }
0x3: {  	s9 =	simm.s32 $0x1;
	s10 =	simm.s32 $0x3;
	s1 =	sshll.u32 s1, $0xA  }
0x4: {  	s13 =	simm.s32 $0x0;
	s3 =	sshll.u32 s0, $0xB;
	s4 =	sand.u32 $0x400, s1  }
0x5: {  	s12 =	simm.s32 $0x0;
	s1 =	rddreg [dreg:$0x2];
	s3 =	sor.u32 s3, s4  }
0x6: {  	_ =	strace $0x80000047;
	s4 =	sadd.s32 $0x800, s5;
	s8 =	ssub.s32 $0x10000, s3  }
.Ltmp0:
0x7: {  	s5 =	sadd.s32 $0x2800, s5;
	s7 =	sand.u32 $0x7C00, s8;
	(pc) =	sbr.rel .LBB2_1-.Ltmp0, $4  }
0x8: {  	[sflag:s6] =	ssyncpa.u1 $0x0;
	s11 =	smov.u32 s3;
	p0 =	sne.s32 s7, $0x0  }
0x9: {  	s8 =	sshrl.u32 s8, $0xF;
	s7 =	simm.s32 $0x2;
	s9 =	simm.s32 @!p0 $0x0  }
0xa: {  	[sflag:s7] =	ssyncpa.u1 $0x0;
	p0 =	por $0x0, $0x0;
	s8 =	sadd.s32 s9, s8  }
0xb: {  	vm0 =	vmmov $0xffff;
	[sflag:s10] =	ssyncpa.u1 $0x0;
	s10 =	simm.s32 $0x0;
	s9 =	sadd.s32 $0x1, s8  }
.LBB2_4:
0xc: {  	vm1 =	veq.s32 v0, $0x80000000;
	v63 =	vand.u32 $0xFFFF, v0;
	v2 =	vand.u32 $0x3FF, v2  }
0xd: {  	v0 =	vsel vm1, $0xFFFFFFFF, v63;
	v2 =	vsel vm1, $0xFFFFFFFF, v2  }
0xe: {  	v3 =	vshll.u32 v2, $0x10;
	v4 =	vshll.u32 v0, $0x3  }
0xf: {  	v2 =	vshll.u32 v2, $0x7;
	v3 =	vand.u32 $0xFFF80000, v3;
	v4 =	vand.u32 $0xFFFFFC00, v4  }
0x10: {  	v2 =	vand.u32 $0x380, v2;
	v3 =	vadd.s32 v4, v3  }
0x11: {  	v0 =	vand.u32 $0x7F, v0;
	v2 =	vor.u32 v2, v3  }
0x12: {  	v0 =	vor.u32 v0, v2;
	_ =	sdelay $0x1  }
0x13: {  	(ifvalue) =	ssetifvalue $0x7FFFFFFF;
	s14 =	sadd.s32 $0x10, s14  }
0x14: {  	[tilespmem:s14], [sflag:$0x1] =	stream.indirect_vreg.gather [hbm4b:s2+s10], $0x1, v1, vm0, $0x4038;
	[tilespmem:$0x1000] =	vst v63  }
0x15: {  	(ifvalue) =	ssetifvalue $0x7FFFFFFF;
	s14 =	sadd.s32 $0x10, s14  }
0x16: {  	[tilespmem:s14], [sflag:$0x1] =	stream.indirect_vreg.gather [hbm4b:s2+s10], $0x1, v0, vm0, $0x4038;
	[tilespmem:$0x1000] =	vst v63  }
0x17: {  	_ =	swait.ge [sflag:s6], $0x400  }
0x18: {  	s30 =	sshrl.u32 s13, $0x3;
	[sflag:s6] =	ssyncset.done $0x0  }
0x19: {  	s31 =	sand.u32 $0x7, s13;
	s14 =	sadd.s32 s5, s30;
	[sflag:s6] =	ssyncadd.s32 $0xFFFFFC00  }
0x1a: {  	[hbm4b:s14+s31] =	stream.linear.scatter [tilespmem:s15], [sflag:$0x3], $0x400, $0x38;
	[tilespmem:$0x1000] =	vst v63  }
.LBB2_5:
0x1b: {  	s15 =	sadd.s32 $0x8000, s11  }
0x1c: {  	p2 =	sgt.s32 s15, $0xFFFF  }
0x1d: {  	s15 =	smov.u32 @p2 s3;
	p2 =	sne.s32 s12, s9  }
.Ltmp1:
0x1e: {  	p1 =	slt.u32 s12, $0x2;
	(pc) =	sbr.rel @!p2 .LBB2_6-.Ltmp1, $4  }
0x1f: {  	s14 =	simm.s32 @!p1 $0x3  }
0x20: {  	s16 =	sadd.s32 $0x1, s12;
	_ =	swait.ge @!p1 [sflag:s14], $0x400  }
0x21: {  	s13 =	smov.u32 s11;
	p0 =	por !p0, !p0;
	[sflag:s14] =	ssyncset.done @!p1 $0x0  }
0x22: {  	s12 =	smov.u32 s16;
	s11 =	smov.u32 s15;
	[sflag:s14] =	ssyncadd.s32 @!p1 $0xFFFFFC00  }
.LBB2_1:
0x23: {  	p1 =	sge.u32 s12, s8  }
0x24: {  	s14 =	sxor.u32 @!p1 $0xFFFFFFFF, s12  }
0x25: {  	s31 =	sadd.s32 $0xFFFFFFFF, s12;
	s15 =	sshrl.u32 @!p1 s11, $0x3;
	s14 =	sshll.u32 @!p1 s14, $0xA  }
0x26: {  	s16 =	sand.u32 @!p1 $0x7, s11;
	s15 =	sadd.s32 @!p1 s4, s15;
	s14 =	sand.u32 @!p1 $0x400, s14  }
0x27: {  	[tilespmem:s14], [sflag:$0x2] =	stream.linear.gather @!p1 [hbm4b:s15+s16], $0x400, $0x38;
	[tilespmem:$0x1000] =	vst v63  }
0x28: {  	p1 =	sge.u32 s31, s8  }
.Ltmp2:
0x29: {  	_ = 	snop;
	(pc) =	sbr.rel @p1 .LBB2_5-.Ltmp2, $1  }
0x2a: {  	_ =	sdelay $0x3  }
0x2b: {  	s14 =	simm.s32 $0x1  }
0x2c: {  	_ =	swait.ge [sflag:s7], $0x400;
	s14 =	simm.s32 @!p0 $0x0  }
0x2d: {  	[sflag:s7] =	ssyncset.done $0x0;
	s14 =	sshll.u32 s14, $0xA  }
0x2e: {  	[sflag:s7] =	ssyncadd.s32 $0xFFFFFC00;
	(ifvalue) =	ssetifvalue $0x7FFFFFFF;
	v0 =	vld.msk [tilespmem:s14+$0x0 ss:$0x1], $0xffff;
	_ =	sdelay $0x4  }
0x2f: {  	s15 =	sadd.s32 $0x10, s14;
	v1 =	vshrl.u32 v0, $0x10  }
0x30: {  	v2 =	vld.msk [tilespmem:s15+$0x0 ss:$0x1], $0xffff;
	vm1 =	veq.s32 v0, $0x80000000;
	v0 =	vand.u32 $0xFFFF, v0;
	v1 =	vand.u32 $0x3FF, v1  }
0x31: {  	v0 =	vsel vm1, $0xFFFFFFFF, v0;
	v1 =	vsel vm1, $0xFFFFFFFF, v1  }
0x32: {  	v4 =	vshll.u32 v0, $0x3;
	v3 =	vshll.u32 v1, $0x10  }
0x33: {  	v4 =	vand.u32 $0xFFFFFC00, v4;
	v1 =	vshll.u32 v1, $0x7;
	v3 =	vand.u32 $0xFFF80000, v3  }
0x34: {  	v0 =	vand.u32 $0x7F, v0;
	v1 =	vand.u32 $0x380, v1;
	v3 =	vadd.s32 v4, v3  }
0x35: {  	vm1 =	veq.s32 v2, $0x80000000;
	v1 =	vor.u32 v1, v3;
	v3 =	vshrl.u32 v2, $0x10  }
0x36: {  	s17 =	sadd.s32 $0x10, s15;
	v2 =	vand.u32 $0xFFFF, v2;
	v1 =	vor.u32 v0, v1;
	v3 =	vand.u32 $0x3FF, v3  }
0x37: {  	v0 =	vld.msk [tilespmem:s17+$0x0 ss:$0x1], $0xffff;
	v2 =	vsel vm1, $0xFFFFFFFF, v2;
	v3 =	vsel vm1, $0xFFFFFFFF, v3  }
0x38: {  	v5 =	vshll.u32 v2, $0x3;
	v63 =	vshll.u32 v3, $0x10  }
0x39: {  	s31 =	sshll.u32 s12, $0xA;
	v5 =	vand.u32 $0xFFFFFC00, v5;
	v3 =	vshll.u32 v3, $0x7;
	v4 =	vand.u32 $0xFFF80000, v63  }
0x3a: {  	s14 =	sor.u32 $0x800, s14;
	s15 =	sand.u32 $0x400, s31;
	(ifvalue) =	ssetifvalue $0x7FFFFFFF;
	v3 =	vand.u32 $0x380, v3;
	v4 =	vadd.s32 v5, v4  }
0x3b: {  	[tilespmem:s14], [sflag:$0x1] =	stream.indirect_vreg.gather [hbm4b:s2+s10], $0x1, v1, vm0, $0x4038;
	v1 =	vand.u32 $0x7F, v2;
	v3 =	vor.u32 v3, v4;
	[tilespmem:$0x1000] =	vst v63  }
0x3c: {  	s16 =	simm.s32 $0x20;
	s15 =	sor.u32 $0x800, s15;
	s17 =	sadd.s32 $0x10, s17;
	v2 =	vshrl.u32 v0, $0x10;
	v1 =	vor.u32 v1, v3  }
.LBB2_3:
0x3d: {  	s16 =	sadd.s32 $0x10, s16;
	vm1 =	veq.s32 v0, $0x80000000;
	v3 =	vand.u32 $0xFFFF, v0;
	v0 =	vld.msk [tilespmem:s17+$0x0 ss:$0x1], $0xffff;
	v2 =	vand.u32 $0x3FF, v2  }
0x3e: {  	p1 =	slt.u32 s16, $0x3F0;
	v3 =	vsel vm1, $0xFFFFFFFF, v3;
	v2 =	vsel vm1, $0xFFFFFFFF, v2  }
.Ltmp3:
0x3f: {  	v4 =	vshll.u32 v2, $0x10;
	v5 =	vshll.u32 v3, $0x3;
	(pc) =	sbr.rel @p1 .LBB2_3-.Ltmp3, $4  }
0x40: {  	s14 =	sadd.s32 $0x10, s14;
	v2 =	vshll.u32 v2, $0x7;
	v4 =	vand.u32 $0xFFF80000, v4;
	v5 =	vand.u32 $0xFFFFFC00, v5;
	(ifvalue) =	ssetifvalue $0x7FFFFFFF  }
0x41: {  	v2 =	vand.u32 $0x380, v2;
	v4 =	vadd.s32 v5, v4;
	[tilespmem:s14], [sflag:$0x1] =	stream.indirect_vreg.gather [hbm4b:s2+s10], $0x1, v1, vm0, $0x4038;
	[tilespmem:$0x1000] =	vst v63  }
0x42: {  	v1 =	vand.u32 $0x7F, v3;
	v3 =	vor.u32 v2, v4  }
0x43: {  	s17 =	sadd.s32 $0x10, s17;
	v2 =	vshrl.u32 v0, $0x10;
	v1 =	vor.u32 v1, v3  }
.Ltmp4:
0x44: {  	_ = 	snop;
	(pc) =	sbr.rel .LBB2_4-.Ltmp4, $1  }
0x45: {  	_ =	sdelay $0x3  }
.LBB2_6:
0x46: {  	_ =	sfence.sel $0x180000  }
0x47: {  	s2 =	simm.s32 $0x2;
	[bflag:$0x0] =	sbarrier.arrive $0xFFFF  }
0x48: {  	s30 =	simm.s32 $0x3;
	[sflag:s2] =	ssyncpa.u1 $0x1  }
0x49: {  	s31 =	simm.s32 $0x1;
	[sflag:s30] =	ssyncpa.u1 $0x1  }
0x4a: {  	[sflag:s31] =	ssyncpa.u1 $0x1  }
0x4b: {  	p0 =	sne.s32 s0, $0x0;
	_ =	strace $0x90000047  }
0x4c: {  	s0 =	sadd.s32 @!p0 $0x100000, s1;
	[bflag:$0x2] =	sbarrier.arrive $0xFFFF  }
0x4d: {  	[sflag:s0] =	ssyncadd.tile.s32 @!p0 $0x1;
	_ =	shalt  }
.Lfunc_end2:
_tile_overlayer_lowered:
.L_overlay_start_2:
0x4e: {  	(tag) =	ssettag $0x2  }
0x4f: {  	s0 =	rddreg [dreg:$0x0];
	s2 =	stileid.u32  }
0x50: {  	s1 =	rddreg [dreg:$0x1];
	p0 =	sne.s32 s2, $0x0  }
0x51: {  	s3 =	rddreg [dreg:$0x2];
	[bflag:$0x3] =	sbarrier.arrive $0xFFFF;
	s2 =	simm.s32 @!p0 $0x1C01  }
0x52: {  	[timem:s3], [sflag:s2] =	dma.local @!p0 [hbm:s0], s1  }
0x53: {  	s0 =	simm.s32 @!p0 $0x1  }
0x54: {  	_ =	swait.ge @!p0 [sflag:s0], s1  }
0x55: {  	s1 =	ssub.s32 @!p0 $0x0, s1;
	[sflag:s0] =	ssyncset.done @!p0 $0x0  }
0x56: {  	[sflag:s0] =	ssyncadd.s32 @!p0 s1  }
0x57: {  	[bflag:$0x3] =	sbarrier.arrive $0xFFFF  }
0x58: {  	_ =	shalt  }

</sc_bundles>
